<compile_context>
chip_gen: v7x
topology: tpu7x:2x2x1
jax: 0.10.2.dev20260603
libtpu: 0.0.44.dev20260713+nightly
codegen_flags: <defaults>
</compile_context>

<pallas_src>
import functools

import jax
import jax.numpy as jnp
from jax import lax
from jax.experimental import pallas as pl
from jax.experimental.pallas import tpu as pltpu
from jax.experimental.pallas import tpu_sc as plsc

VOCAB = 100000
D = 128
ROWS_PER_BLOCK = 8192
NC, NS, LANES = 2, 16, 16
NW = NC * NS


def _fuse_body(gamma_ref, mask_ref, emb_ref, feat_ref, w_ref, out_ref):
    proj = lax.dot_general(
        feat_ref[...], w_ref[...],
        dimension_numbers=(((1,), (1,)), ((), ())),
        preferred_element_type=jnp.float32,
    )
    m = mask_ref[...].astype(jnp.float32)
    scale = gamma_ref[0] * lax.broadcast_in_dim(m, (ROWS_PER_BLOCK, D), (0,))
    out_ref[...] = emb_ref[...] + scale * proj


def _fused_table(gamma, mask1d, id_embed, feat_tbl, feat_proj_w):
    grid = pl.cdiv(VOCAB, ROWS_PER_BLOCK)
    return pl.pallas_call(
        _fuse_body,
        grid=(grid,),
        in_specs=[
            pl.BlockSpec(memory_space=pltpu.SMEM),
            pl.BlockSpec((ROWS_PER_BLOCK,), lambda i: (i,)),
            pl.BlockSpec((ROWS_PER_BLOCK, D), lambda i: (i, 0)),
            pl.BlockSpec((ROWS_PER_BLOCK, D), lambda i: (i, 0)),
            pl.BlockSpec((D, D), lambda i: (0, 0)),
        ],
        out_specs=pl.BlockSpec((ROWS_PER_BLOCK, D), lambda i: (i, 0)),
        out_shape=jax.ShapeDtypeStruct((VOCAB, D), jnp.float32),
    )(gamma, mask1d, id_embed, feat_tbl, feat_proj_w)


NBUF = 5


def _gather_body(seq, bw, tbl_hbm, idx_hbm, out_hbm, idx_v, bufs, gsems,
                 ssems):
    wid = lax.axis_index("s") * NC + lax.axis_index("c")
    c0 = wid * bw
    pltpu.sync_copy(idx_hbm.at[:, pl.ds(c0, bw)], idx_v)

    @pl.loop(0, seq // NBUF)
    def _(p):
        l = NBUF * p
        ghs = [
            pltpu.async_copy(tbl_hbm.at[idx_v.at[l + j]], bufs[j], gsems[j])
            for j in range(NBUF)
        ]
        shs = []
        for j in range(NBUF):
            ghs[j].wait()
            shs.append(
                pltpu.async_copy(bufs[j], out_hbm.at[l + j].at[pl.ds(c0, bw)],
                                 ssems[j]))
        for sh in shs:
            sh.wait()


def _sc_gather(fused, ids_t):
    seq, batch = ids_t.shape
    bw = batch // NW
    mesh = plsc.VectorSubcoreMesh(core_axis_name="c", subcore_axis_name="s")
    return pl.kernel(
        functools.partial(_gather_body, seq, bw),
        out_type=jax.ShapeDtypeStruct((seq, batch, D), jnp.float32),
        mesh=mesh,
        scratch_types=[
            pltpu.VMEM((seq, bw), jnp.int32),
            [pltpu.VMEM((bw, D), jnp.float32) for _ in range(NBUF)],
            [pltpu.SemaphoreType.DMA for _ in range(NBUF)],
            [pltpu.SemaphoreType.DMA for _ in range(NBUF)],
        ],
    )(fused, ids_t)


def kernel(ids, id_embed, feat_tbl, feat_proj_w, prod_mask, gamma):
    gamma1 = gamma.reshape(1).astype(jnp.float32)
    mask1d = prod_mask.astype(jnp.int32)
    fused = _fused_table(gamma1, mask1d, id_embed, feat_tbl, feat_proj_w)
    out_t = _sc_gather(fused, ids.T)
    return out_t.transpose(1, 0, 2)

# --- scband reference (transcript-rebuilt; emitter-appended) ---
"""Pipeline reference for scband-special-plus-feature-lookup-26199300505883 (READ-ONLY COPY).

The authoritative reference and input builder live on the scoring server;
editing this copy changes nothing except your own understanding.
"""

import jax, jax.numpy as jnp
import numpy as np

B = 4096
L = 50
VOCAB = 100000
D_MODEL = 128
FEAT_DIM = 128


def setup_inputs(seed: int = 0) -> dict:
    key = jax.random.key(seed)
    k1, k2, k3, k4, k5 = jax.random.split(key, 5)
    ids = jax.random.randint(k1, (B, L), 0, VOCAB, dtype=jnp.int32)
    id_embed = jax.random.normal(k2, (VOCAB, D_MODEL), dtype=jnp.float32) * 0.02
    feat_tbl = jax.random.normal(k3, (VOCAB, FEAT_DIM), dtype=jnp.float32)
    feat_proj_w = jax.random.normal(k4, (D_MODEL, FEAT_DIM), dtype=jnp.float32) * 0.02
    prod_mask = jax.random.bernoulli(k5, 0.5, (VOCAB,))
    gamma = jnp.asarray(1.0, dtype=jnp.float32)
    return {"ids": ids, "id_embed": id_embed, "feat_tbl": feat_tbl,
            "feat_proj_w": feat_proj_w, "prod_mask": prod_mask, "gamma": gamma}


def reference(ids, id_embed, feat_tbl, feat_proj_w, prod_mask, gamma):
    ids_long = ids.astype(jnp.int32)
    # id embedding lookup (gather)
    id_vec = jnp.take(id_embed, ids_long, axis=0)            # [B, L, d_model]
    # raw feature gather from buffer table
    raw_feat = jnp.take(feat_tbl, ids_long, axis=0)          # [B, L, feat_dim]
    # linear projection, no bias: raw_feat @ W^T
    feat_vec = raw_feat @ feat_proj_w.T                      # [B, L, d_model]
    # product mask gather
    keep = jnp.take(prod_mask, ids_long, axis=0)             # [B, L] bool
    feat_vec = feat_vec * keep[..., None].astype(feat_vec.dtype)
    return id_vec + gamma * feat_vec

if __name__ == "__main__":
    import jax
    _d = setup_inputs()
    print(jax.jit(kernel)(*tuple(_d.values())))

</pallas_src>

<mosaic_0001>
#map = affine_map<(d0, d1) -> (0, 0)>
#map1 = affine_map<(d0, d1) -> (0, 0, 0)>
module attributes {stable_mosaic.version = 14 : i64} {
  func.func @_gather_body(%arg0: i32, %arg1: i32, %arg2: memref<100000x128xf32, #tpu.memory_space<hbm>>, %arg3: memref<50x4096xi32, #tpu.memory_space<hbm>>, %arg4: memref<50x4096x128xf32, #tpu.memory_space<hbm>>, %arg5: memref<50x128xi32, #tpu.memory_space<vmem>>, %arg6: memref<128x128xf32, #tpu.memory_space<vmem>>, %arg7: memref<128x128xf32, #tpu.memory_space<vmem>>, %arg8: memref<128x128xf32, #tpu.memory_space<vmem>>, %arg9: memref<128x128xf32, #tpu.memory_space<vmem>>, %arg10: memref<128x128xf32, #tpu.memory_space<vmem>>, %arg11: memref<!tpu.dma_semaphore, #tpu.memory_space<semaphore_mem>>, %arg12: memref<!tpu.dma_semaphore, #tpu.memory_space<semaphore_mem>>, %arg13: memref<!tpu.dma_semaphore, #tpu.memory_space<semaphore_mem>>, %arg14: memref<!tpu.dma_semaphore, #tpu.memory_space<semaphore_mem>>, %arg15: memref<!tpu.dma_semaphore, #tpu.memory_space<semaphore_mem>>, %arg16: memref<!tpu.dma_semaphore, #tpu.memory_space<semaphore_mem>>, %arg17: memref<!tpu.dma_semaphore, #tpu.memory_space<semaphore_mem>>, %arg18: memref<!tpu.dma_semaphore, #tpu.memory_space<semaphore_mem>>, %arg19: memref<!tpu.dma_semaphore, #tpu.memory_space<semaphore_mem>>, %arg20: memref<!tpu.dma_semaphore, #tpu.memory_space<semaphore_mem>>) attributes {dimension_semantics = [#tpu.dimension_semantics<core_parallel>, #tpu.dimension_semantics<subcore_parallel>], iteration_bounds = array<i64: 2, 16>, scalar_prefetch = 0 : i64, scratch_operands = 16 : i64, tpu.core_type = #tpu.core_type<sc_vector_subcore>, window_params = [{transform_indices = #map}, {transform_indices = #map}, {transform_indices = #map1}]} {
    %mul3A = arith.constant 2 : i32
    %mul3A_0 = arith.muli %arg1, %mul3A : i32
    %add3A = arith.addi %mul3A_0, %arg0 : i32
    %mul3A_1 = arith.constant 128 : i32
    %mul3A_2 = arith.muli %add3A, %mul3A_1 : i32
    "tpu.region"() ({
      %run_scoped3A = tpu.sem_alloc : memref<!tpu.dma_semaphore, #tpu.memory_space<semaphore_mem>>
      %dma_start3A = arith.constant 0 : i32
      %dma_start3A_7 = tpu.memref_slice %arg3[%dma_start3A, %mul3A_2] : memref<50x4096xi32, #tpu.memory_space<hbm>> -> memref<50x128xi32, #tpu.memory_space<hbm>>
      %dma_start3A_8 = arith.constant 0 : i32
      %dma_start3A_9 = tpu.memref_slice %arg3[%dma_start3A_8, %mul3A_2] : memref<50x4096xi32, #tpu.memory_space<hbm>> -> memref<50x128xi32, #tpu.memory_space<hbm>>
      tpu.enqueue_dma source(%dma_start3A_9 : memref<50x128xi32, #tpu.memory_space<hbm>>) target(%arg5 : memref<50x128xi32, #tpu.memory_space<vmem>>) target_semaphore(%run_scoped3A : memref<!tpu.dma_semaphore, #tpu.memory_space<semaphore_mem>>)
      %dma_wait3A = arith.constant 0 : i32
      %dma_wait3A_10 = tpu.memref_slice %arg3[%dma_wait3A, %mul3A_2] : memref<50x4096xi32, #tpu.memory_space<hbm>> -> memref<50x128xi32, #tpu.memory_space<hbm>>
      %dma_wait3A_11 = arith.constant 0 : i32
      %dma_wait3A_12 = tpu.memref_slice %arg3[%dma_wait3A_11, %mul3A_2] : memref<50x4096xi32, #tpu.memory_space<hbm>> -> memref<50x128xi32, #tpu.memory_space<hbm>>
      tpu.wait_dma2 semaphore(%run_scoped3A : memref<!tpu.dma_semaphore, #tpu.memory_space<semaphore_mem>>) src(%dma_wait3A_12 : memref<50x128xi32, #tpu.memory_space<hbm>>) dst(%arg5 : memref<50x128xi32, #tpu.memory_space<vmem>>)
      tpu.yield
    }) : () -> ()
    %scan3A = arith.constant 0 : i32
    %scan3A_3 = arith.constant 10 : i32
    %scan3A_4 = arith.addi %scan3A, %scan3A_3 : i32
    %scan3A_5 = arith.constant 1 : i32
    scf.for %scan3A_7 = %scan3A to %scan3A_4 step %scan3A_5  : i32 {
      %mul3A_8 = arith.constant 1 : i32
      %mul3A_9 = arith.muli %scan3A_7, %mul3A_8 : i32
      %add3A_10 = arith.constant 0 : i32
      %add3A_11 = arith.addi %add3A_10, %mul3A_9 : i32
      %mul3A_12 = arith.constant 5 : i32
      %mul3A_13 = arith.muli %mul3A_12, %add3A_11 : i32
      %add3A_14 = arith.constant 0 : i32
      %add3A_15 = arith.addi %mul3A_13, %add3A_14 : i32
      %dma_start3A = arith.constant 0 : i32
      %dma_start3A_16 = tpu.memref_slice %arg5[%add3A_15, %dma_start3A] : memref<50x128xi32, #tpu.memory_space<vmem>> -> memref<1x128xi32, #tpu.memory_space<vmem>>
      %dma_start3A_17 = tpu.memref_squeeze %dma_start3A_16 : memref<1x128xi32, #tpu.memory_space<vmem>> -> memref<128xi32, #tpu.memory_space<vmem>>
      %dma_start3A_18 = arith.constant 0 : i32
      %dma_start3A_19 = arith.constant 0 : i32
      %dma_start3A_20 = tpu.memref_slice %arg2[%dma_start3A_18, %dma_start3A_19] : memref<100000x128xf32, #tpu.memory_space<hbm>> -> memref<100000x128xf32, #tpu.memory_space<hbm>>
      tpu.enqueue_indirect_dma source(%dma_start3A_20 : memref<100000x128xf32, #tpu.memory_space<hbm>>) target(%arg6 : memref<128x128xf32, #tpu.memory_space<vmem>>) offsets(%dma_start3A_17 : memref<128xi32, #tpu.memory_space<vmem>>) semaphore(%arg11 : memref<!tpu.dma_semaphore, #tpu.memory_space<semaphore_mem>>)
      %add3A_21 = arith.constant 1 : i32
      %add3A_22 = arith.addi %mul3A_13, %add3A_21 : i32
      %dma_start3A_23 = arith.constant 0 : i32
      %dma_start3A_24 = tpu.memref_slice %arg5[%add3A_22, %dma_start3A_23] : memref<50x128xi32, #tpu.memory_space<vmem>> -> memref<1x128xi32, #tpu.memory_space<vmem>>
      %dma_start3A_25 = tpu.memref_squeeze %dma_start3A_24 : memref<1x128xi32, #tpu.memory_space<vmem>> -> memref<128xi32, #tpu.memory_space<vmem>>
      %dma_start3A_26 = arith.constant 0 : i32
      %dma_start3A_27 = arith.constant 0 : i32
      %dma_start3A_28 = tpu.memref_slice %arg2[%dma_start3A_26, %dma_start3A_27] : memref<100000x128xf32, #tpu.memory_space<hbm>> -> memref<100000x128xf32, #tpu.memory_space<hbm>>
      tpu.enqueue_indirect_dma source(%dma_start3A_28 : memref<100000x128xf32, #tpu.memory_space<hbm>>) target(%arg7 : memref<128x128xf32, #tpu.memory_space<vmem>>) offsets(%dma_start3A_25 : memref<128xi32, #tpu.memory_space<vmem>>) semaphore(%arg12 : memref<!tpu.dma_semaphore, #tpu.memory_space<semaphore_mem>>)
      %add3A_29 = arith.constant 2 : i32
      %add3A_30 = arith.addi %mul3A_13, %add3A_29 : i32
      %dma_start3A_31 = arith.constant 0 : i32
      %dma_start3A_32 = tpu.memref_slice %arg5[%add3A_30, %dma_start3A_31] : memref<50x128xi32, #tpu.memory_space<vmem>> -> memref<1x128xi32, #tpu.memory_space<vmem>>
      %dma_start3A_33 = tpu.memref_squeeze %dma_start3A_32 : memref<1x128xi32, #tpu.memory_space<vmem>> -> memref<128xi32, #tpu.memory_space<vmem>>
      %dma_start3A_34 = arith.constant 0 : i32
      %dma_start3A_35 = arith.constant 0 : i32
      %dma_start3A_36 = tpu.memref_slice %arg2[%dma_start3A_34, %dma_start3A_35] : memref<100000x128xf32, #tpu.memory_space<hbm>> -> memref<100000x128xf32, #tpu.memory_space<hbm>>
      tpu.enqueue_indirect_dma source(%dma_start3A_36 : memref<100000x128xf32, #tpu.memory_space<hbm>>) target(%arg8 : memref<128x128xf32, #tpu.memory_space<vmem>>) offsets(%dma_start3A_33 : memref<128xi32, #tpu.memory_space<vmem>>) semaphore(%arg13 : memref<!tpu.dma_semaphore, #tpu.memory_space<semaphore_mem>>)
      %add3A_37 = arith.constant 3 : i32
      %add3A_38 = arith.addi %mul3A_13, %add3A_37 : i32
      %dma_start3A_39 = arith.constant 0 : i32
      %dma_start3A_40 = tpu.memref_slice %arg5[%add3A_38, %dma_start3A_39] : memref<50x128xi32, #tpu.memory_space<vmem>> -> memref<1x128xi32, #tpu.memory_space<vmem>>
      %dma_start3A_41 = tpu.memref_squeeze %dma_start3A_40 : memref<1x128xi32, #tpu.memory_space<vmem>> -> memref<128xi32, #tpu.memory_space<vmem>>
      %dma_start3A_42 = arith.constant 0 : i32
      %dma_start3A_43 = arith.constant 0 : i32
      %dma_start3A_44 = tpu.memref_slice %arg2[%dma_start3A_42, %dma_start3A_43] : memref<100000x128xf32, #tpu.memory_space<hbm>> -> memref<100000x128xf32, #tpu.memory_space<hbm>>
      tpu.enqueue_indirect_dma source(%dma_start3A_44 : memref<100000x128xf32, #tpu.memory_space<hbm>>) target(%arg9 : memref<128x128xf32, #tpu.memory_space<vmem>>) offsets(%dma_start3A_41 : memref<128xi32, #tpu.memory_space<vmem>>) semaphore(%arg14 : memref<!tpu.dma_semaphore, #tpu.memory_space<semaphore_mem>>)
      %add3A_45 = arith.constant 4 : i32
      %add3A_46 = arith.addi %mul3A_13, %add3A_45 : i32
      %dma_start3A_47 = arith.constant 0 : i32
      %dma_start3A_48 = tpu.memref_slice %arg5[%add3A_46, %dma_start3A_47] : memref<50x128xi32, #tpu.memory_space<vmem>> -> memref<1x128xi32, #tpu.memory_space<vmem>>
      %dma_start3A_49 = tpu.memref_squeeze %dma_start3A_48 : memref<1x128xi32, #tpu.memory_space<vmem>> -> memref<128xi32, #tpu.memory_space<vmem>>
      %dma_start3A_50 = arith.constant 0 : i32
      %dma_start3A_51 = arith.constant 0 : i32
      %dma_start3A_52 = tpu.memref_slice %arg2[%dma_start3A_50, %dma_start3A_51] : memref<100000x128xf32, #tpu.memory_space<hbm>> -> memref<100000x128xf32, #tpu.memory_space<hbm>>
      tpu.enqueue_indirect_dma source(%dma_start3A_52 : memref<100000x128xf32, #tpu.memory_space<hbm>>) target(%arg10 : memref<128x128xf32, #tpu.memory_space<vmem>>) offsets(%dma_start3A_49 : memref<128xi32, #tpu.memory_space<vmem>>) semaphore(%arg15 : memref<!tpu.dma_semaphore, #tpu.memory_space<semaphore_mem>>)
      %dma_wait3A = arith.constant 0 : i32
      %dma_wait3A_53 = tpu.memref_slice %arg5[%add3A_15, %dma_wait3A] : memref<50x128xi32, #tpu.memory_space<vmem>> -> memref<1x128xi32, #tpu.memory_space<vmem>>
      %dma_wait3A_54 = tpu.memref_squeeze %dma_wait3A_53 : memref<1x128xi32, #tpu.memory_space<vmem>> -> memref<128xi32, #tpu.memory_space<vmem>>
      %dma_wait3A_55 = arith.constant 0 : i32
      %dma_wait3A_56 = arith.constant 0 : i32
      %dma_wait3A_57 = tpu.memref_slice %arg2[%dma_wait3A_55, %dma_wait3A_56] : memref<100000x128xf32, #tpu.memory_space<hbm>> -> memref<100000x128xf32, #tpu.memory_space<hbm>>
      tpu.wait_indirect_dma semaphore(%arg11 : memref<!tpu.dma_semaphore, #tpu.memory_space<semaphore_mem>>) src(%dma_wait3A_57 : memref<100000x128xf32, #tpu.memory_space<hbm>>) dst(%arg6 : memref<128x128xf32, #tpu.memory_space<vmem>>)
      %add3A_58 = arith.constant 0 : i32
      %add3A_59 = arith.addi %mul3A_13, %add3A_58 : i32
      %dma_start3A_60 = arith.constant 0 : i32
      %dma_start3A_61 = arith.constant 0 : i32
      %dma_start3A_62 = tpu.memref_slice %arg4[%add3A_59, %dma_start3A_60, %dma_start3A_61] : memref<50x4096x128xf32, #tpu.memory_space<hbm>> -> memref<1x4096x128xf32, #tpu.memory_space<hbm>>
      %dma_start3A_63 = tpu.memref_squeeze %dma_start3A_62 : memref<1x4096x128xf32, #tpu.memory_space<hbm>> -> memref<4096x128xf32, #tpu.memory_space<hbm>>
      %dma_start3A_64 = arith.constant 0 : i32
      %dma_start3A_65 = tpu.memref_slice %dma_start3A_63[%mul3A_2, %dma_start3A_64] : memref<4096x128xf32, #tpu.memory_space<hbm>> -> memref<128x128xf32, #tpu.memory_space<hbm>>
      %dma_start3A_66 = arith.constant 0 : i32
      %dma_start3A_67 = arith.constant 0 : i32
      %dma_start3A_68 = tpu.memref_slice %arg4[%add3A_59, %dma_start3A_66, %dma_start3A_67] : memref<50x4096x128xf32, #tpu.memory_space<hbm>> -> memref<1x4096x128xf32, #tpu.memory_space<hbm>>
      %dma_start3A_69 = tpu.memref_squeeze %dma_start3A_68 : memref<1x4096x128xf32, #tpu.memory_space<hbm>> -> memref<4096x128xf32, #tpu.memory_space<hbm>>
      %dma_start3A_70 = arith.constant 0 : i32
      %dma_start3A_71 = tpu.memref_slice %dma_start3A_69[%mul3A_2, %dma_start3A_70] : memref<4096x128xf32, #tpu.memory_space<hbm>> -> memref<128x128xf32, #tpu.memory_space<hbm>>
      tpu.enqueue_dma source(%arg6 : memref<128x128xf32, #tpu.memory_space<vmem>>) target(%dma_start3A_71 : memref<128x128xf32, #tpu.memory_space<hbm>>) target_semaphore(%arg16 : memref<!tpu.dma_semaphore, #tpu.memory_space<semaphore_mem>>)
      %dma_wait3A_72 = arith.constant 0 : i32
      %dma_wait3A_73 = tpu.memref_slice %arg5[%add3A_22, %dma_wait3A_72] : memref<50x128xi32, #tpu.memory_space<vmem>> -> memref<1x128xi32, #tpu.memory_space<vmem>>
      %dma_wait3A_74 = tpu.memref_squeeze %dma_wait3A_73 : memref<1x128xi32, #tpu.memory_space<vmem>> -> memref<128xi32, #tpu.memory_space<vmem>>
      %dma_wait3A_75 = arith.constant 0 : i32
      %dma_wait3A_76 = arith.constant 0 : i32
      %dma_wait3A_77 = tpu.memref_slice %arg2[%dma_wait3A_75, %dma_wait3A_76] : memref<100000x128xf32, #tpu.memory_space<hbm>> -> memref<100000x128xf32, #tpu.memory_space<hbm>>
      tpu.wait_indirect_dma semaphore(%arg12 : memref<!tpu.dma_semaphore, #tpu.memory_space<semaphore_mem>>) src(%dma_wait3A_77 : memref<100000x128xf32, #tpu.memory_space<hbm>>) dst(%arg7 : memref<128x128xf32, #tpu.memory_space<vmem>>)
      %add3A_78 = arith.constant 1 : i32
      %add3A_79 = arith.addi %mul3A_13, %add3A_78 : i32
      %dma_start3A_80 = arith.constant 0 : i32
      %dma_start3A_81 = arith.constant 0 : i32
      %dma_start3A_82 = tpu.memref_slice %arg4[%add3A_79, %dma_start3A_80, %dma_start3A_81] : memref<50x4096x128xf32, #tpu.memory_space<hbm>> -> memref<1x4096x128xf32, #tpu.memory_space<hbm>>
      %dma_start3A_83 = tpu.memref_squeeze %dma_start3A_82 : memref<1x4096x128xf32, #tpu.memory_space<hbm>> -> memref<4096x128xf32, #tpu.memory_space<hbm>>
      %dma_start3A_84 = arith.constant 0 : i32
      %dma_start3A_85 = tpu.memref_slice %dma_start3A_83[%mul3A_2, %dma_start3A_84] : memref<4096x128xf32, #tpu.memory_space<hbm>> -> memref<128x128xf32, #tpu.memory_space<hbm>>
      %dma_start3A_86 = arith.constant 0 : i32
      %dma_start3A_87 = arith.constant 0 : i32
      %dma_start3A_88 = tpu.memref_slice %arg4[%add3A_79, %dma_start3A_86, %dma_start3A_87] : memref<50x4096x128xf32, #tpu.memory_space<hbm>> -> memref<1x4096x128xf32, #tpu.memory_space<hbm>>
      %dma_start3A_89 = tpu.memref_squeeze %dma_start3A_88 : memref<1x4096x128xf32, #tpu.memory_space<hbm>> -> memref<4096x128xf32, #tpu.memory_space<hbm>>
      %dma_start3A_90 = arith.constant 0 : i32
      %dma_start3A_91 = tpu.memref_slice %dma_start3A_89[%mul3A_2, %dma_start3A_90] : memref<4096x128xf32, #tpu.memory_space<hbm>> -> memref<128x128xf32, #tpu.memory_space<hbm>>
      tpu.enqueue_dma source(%arg7 : memref<128x128xf32, #tpu.memory_space<vmem>>) target(%dma_start3A_91 : memref<128x128xf32, #tpu.memory_space<hbm>>) target_semaphore(%arg17 : memref<!tpu.dma_semaphore, #tpu.memory_space<semaphore_mem>>)
      %dma_wait3A_92 = arith.constant 0 : i32
      %dma_wait3A_93 = tpu.memref_slice %arg5[%add3A_30, %dma_wait3A_92] : memref<50x128xi32, #tpu.memory_space<vmem>> -> memref<1x128xi32, #tpu.memory_space<vmem>>
      %dma_wait3A_94 = tpu.memref_squeeze %dma_wait3A_93 : memref<1x128xi32, #tpu.memory_space<vmem>> -> memref<128xi32, #tpu.memory_space<vmem>>
      %dma_wait3A_95 = arith.constant 0 : i32
      %dma_wait3A_96 = arith.constant 0 : i32
      %dma_wait3A_97 = tpu.memref_slice %arg2[%dma_wait3A_95, %dma_wait3A_96] : memref<100000x128xf32, #tpu.memory_space<hbm>> -> memref<100000x128xf32, #tpu.memory_space<hbm>>
      tpu.wait_indirect_dma semaphore(%arg13 : memref<!tpu.dma_semaphore, #tpu.memory_space<semaphore_mem>>) src(%dma_wait3A_97 : memref<100000x128xf32, #tpu.memory_space<hbm>>) dst(%arg8 : memref<128x128xf32, #tpu.memory_space<vmem>>)
      %add3A_98 = arith.constant 2 : i32
      %add3A_99 = arith.addi %mul3A_13, %add3A_98 : i32
      %dma_start3A_100 = arith.constant 0 : i32
      %dma_start3A_101 = arith.constant 0 : i32
      %dma_start3A_102 = tpu.memref_slice %arg4[%add3A_99, %dma_start3A_100, %dma_start3A_101] : memref<50x4096x128xf32, #tpu.memory_space<hbm>> -> memref<1x4096x128xf32, #tpu.memory_space<hbm>>
      %dma_start3A_103 = tpu.memref_squeeze %dma_start3A_102 : memref<1x4096x128xf32, #tpu.memory_space<hbm>> -> memref<4096x128xf32, #tpu.memory_space<hbm>>
      %dma_start3A_104 = arith.constant 0 : i32
      %dma_start3A_105 = tpu.memref_slice %dma_start3A_103[%mul3A_2, %dma_start3A_104] : memref<4096x128xf32, #tpu.memory_space<hbm>> -> memref<128x128xf32, #tpu.memory_space<hbm>>
      %dma_start3A_106 = arith.constant 0 : i32
      %dma_start3A_107 = arith.constant 0 : i32
      %dma_start3A_108 = tpu.memref_slice %arg4[%add3A_99, %dma_start3A_106, %dma_start3A_107] : memref<50x4096x128xf32, #tpu.memory_space<hbm>> -> memref<1x4096x128xf32, #tpu.memory_space<hbm>>
      %dma_start3A_109 = tpu.memref_squeeze %dma_start3A_108 : memref<1x4096x128xf32, #tpu.memory_space<hbm>> -> memref<4096x128xf32, #tpu.memory_space<hbm>>
      %dma_start3A_110 = arith.constant 0 : i32
      %dma_start3A_111 = tpu.memref_slice %dma_start3A_109[%mul3A_2, %dma_start3A_110] : memref<4096x128xf32, #tpu.memory_space<hbm>> -> memref<128x128xf32, #tpu.memory_space<hbm>>
      tpu.enqueue_dma source(%arg8 : memref<128x128xf32, #tpu.memory_space<vmem>>) target(%dma_start3A_111 : memref<128x128xf32, #tpu.memory_space<hbm>>) target_semaphore(%arg18 : memref<!tpu.dma_semaphore, #tpu.memory_space<semaphore_mem>>)
      %dma_wait3A_112 = arith.constant 0 : i32
      %dma_wait3A_113 = tpu.memref_slice %arg5[%add3A_38, %dma_wait3A_112] : memref<50x128xi32, #tpu.memory_space<vmem>> -> memref<1x128xi32, #tpu.memory_space<vmem>>
      %dma_wait3A_114 = tpu.memref_squeeze %dma_wait3A_113 : memref<1x128xi32, #tpu.memory_space<vmem>> -> memref<128xi32, #tpu.memory_space<vmem>>
      %dma_wait3A_115 = arith.constant 0 : i32
      %dma_wait3A_116 = arith.constant 0 : i32
      %dma_wait3A_117 = tpu.memref_slice %arg2[%dma_wait3A_115, %dma_wait3A_116] : memref<100000x128xf32, #tpu.memory_space<hbm>> -> memref<100000x128xf32, #tpu.memory_space<hbm>>
      tpu.wait_indirect_dma semaphore(%arg14 : memref<!tpu.dma_semaphore, #tpu.memory_space<semaphore_mem>>) src(%dma_wait3A_117 : memref<100000x128xf32, #tpu.memory_space<hbm>>) dst(%arg9 : memref<128x128xf32, #tpu.memory_space<vmem>>)
      %add3A_118 = arith.constant 3 : i32
      %add3A_119 = arith.addi %mul3A_13, %add3A_118 : i32
      %dma_start3A_120 = arith.constant 0 : i32
      %dma_start3A_121 = arith.constant 0 : i32
      %dma_start3A_122 = tpu.memref_slice %arg4[%add3A_119, %dma_start3A_120, %dma_start3A_121] : memref<50x4096x128xf32, #tpu.memory_space<hbm>> -> memref<1x4096x128xf32, #tpu.memory_space<hbm>>
      %dma_start3A_123 = tpu.memref_squeeze %dma_start3A_122 : memref<1x4096x128xf32, #tpu.memory_space<hbm>> -> memref<4096x128xf32, #tpu.memory_space<hbm>>
      %dma_start3A_124 = arith.constant 0 : i32
      %dma_start3A_125 = tpu.memref_slice %dma_start3A_123[%mul3A_2, %dma_start3A_124] : memref<4096x128xf32, #tpu.memory_space<hbm>> -> memref<128x128xf32, #tpu.memory_space<hbm>>
      %dma_start3A_126 = arith.constant 0 : i32
      %dma_start3A_127 = arith.constant 0 : i32
      %dma_start3A_128 = tpu.memref_slice %arg4[%add3A_119, %dma_start3A_126, %dma_start3A_127] : memref<50x4096x128xf32, #tpu.memory_space<hbm>> -> memref<1x4096x128xf32, #tpu.memory_space<hbm>>
      %dma_start3A_129 = tpu.memref_squeeze %dma_start3A_128 : memref<1x4096x128xf32, #tpu.memory_space<hbm>> -> memref<4096x128xf32, #tpu.memory_space<hbm>>
      %dma_start3A_130 = arith.constant 0 : i32
      %dma_start3A_131 = tpu.memref_slice %dma_start3A_129[%mul3A_2, %dma_start3A_130] : memref<4096x128xf32, #tpu.memory_space<hbm>> -> memref<128x128xf32, #tpu.memory_space<hbm>>
      tpu.enqueue_dma source(%arg9 : memref<128x128xf32, #tpu.memory_space<vmem>>) target(%dma_start3A_131 : memref<128x128xf32, #tpu.memory_space<hbm>>) target_semaphore(%arg19 : memref<!tpu.dma_semaphore, #tpu.memory_space<semaphore_mem>>)
      %dma_wait3A_132 = arith.constant 0 : i32
      %dma_wait3A_133 = tpu.memref_slice %arg5[%add3A_46, %dma_wait3A_132] : memref<50x128xi32, #tpu.memory_space<vmem>> -> memref<1x128xi32, #tpu.memory_space<vmem>>
      %dma_wait3A_134 = tpu.memref_squeeze %dma_wait3A_133 : memref<1x128xi32, #tpu.memory_space<vmem>> -> memref<128xi32, #tpu.memory_space<vmem>>
      %dma_wait3A_135 = arith.constant 0 : i32
      %dma_wait3A_136 = arith.constant 0 : i32
      %dma_wait3A_137 = tpu.memref_slice %arg2[%dma_wait3A_135, %dma_wait3A_136] : memref<100000x128xf32, #tpu.memory_space<hbm>> -> memref<100000x128xf32, #tpu.memory_space<hbm>>
      tpu.wait_indirect_dma semaphore(%arg15 : memref<!tpu.dma_semaphore, #tpu.memory_space<semaphore_mem>>) src(%dma_wait3A_137 : memref<100000x128xf32, #tpu.memory_space<hbm>>) dst(%arg10 : memref<128x128xf32, #tpu.memory_space<vmem>>)
      %add3A_138 = arith.constant 4 : i32
      %add3A_139 = arith.addi %mul3A_13, %add3A_138 : i32
      %dma_start3A_140 = arith.constant 0 : i32
      %dma_start3A_141 = arith.constant 0 : i32
      %dma_start3A_142 = tpu.memref_slice %arg4[%add3A_139, %dma_start3A_140, %dma_start3A_141] : memref<50x4096x128xf32, #tpu.memory_space<hbm>> -> memref<1x4096x128xf32, #tpu.memory_space<hbm>>
      %dma_start3A_143 = tpu.memref_squeeze %dma_start3A_142 : memref<1x4096x128xf32, #tpu.memory_space<hbm>> -> memref<4096x128xf32, #tpu.memory_space<hbm>>
      %dma_start3A_144 = arith.constant 0 : i32
      %dma_start3A_145 = tpu.memref_slice %dma_start3A_143[%mul3A_2, %dma_start3A_144] : memref<4096x128xf32, #tpu.memory_space<hbm>> -> memref<128x128xf32, #tpu.memory_space<hbm>>
      %dma_start3A_146 = arith.constant 0 : i32
      %dma_start3A_147 = arith.constant 0 : i32
      %dma_start3A_148 = tpu.memref_slice %arg4[%add3A_139, %dma_start3A_146, %dma_start3A_147] : memref<50x4096x128xf32, #tpu.memory_space<hbm>> -> memref<1x4096x128xf32, #tpu.memory_space<hbm>>
      %dma_start3A_149 = tpu.memref_squeeze %dma_start3A_148 : memref<1x4096x128xf32, #tpu.memory_space<hbm>> -> memref<4096x128xf32, #tpu.memory_space<hbm>>
      %dma_start3A_150 = arith.constant 0 : i32
      %dma_start3A_151 = tpu.memref_slice %dma_start3A_149[%mul3A_2, %dma_start3A_150] : memref<4096x128xf32, #tpu.memory_space<hbm>> -> memref<128x128xf32, #tpu.memory_space<hbm>>
      tpu.enqueue_dma source(%arg10 : memref<128x128xf32, #tpu.memory_space<vmem>>) target(%dma_start3A_151 : memref<128x128xf32, #tpu.memory_space<hbm>>) target_semaphore(%arg20 : memref<!tpu.dma_semaphore, #tpu.memory_space<semaphore_mem>>)
      %dma_wait3A_152 = arith.constant 0 : i32
      %dma_wait3A_153 = arith.constant 0 : i32
      %dma_wait3A_154 = tpu.memref_slice %arg4[%add3A_59, %dma_wait3A_152, %dma_wait3A_153] : memref<50x4096x128xf32, #tpu.memory_space<hbm>> -> memref<1x4096x128xf32, #tpu.memory_space<hbm>>
      %dma_wait3A_155 = tpu.memref_squeeze %dma_wait3A_154 : memref<1x4096x128xf32, #tpu.memory_space<hbm>> -> memref<4096x128xf32, #tpu.memory_space<hbm>>
      %dma_wait3A_156 = arith.constant 0 : i32
      %dma_wait3A_157 = tpu.memref_slice %dma_wait3A_155[%mul3A_2, %dma_wait3A_156] : memref<4096x128xf32, #tpu.memory_space<hbm>> -> memref<128x128xf32, #tpu.memory_space<hbm>>
      %dma_wait3A_158 = arith.constant 0 : i32
      %dma_wait3A_159 = arith.constant 0 : i32
      %dma_wait3A_160 = tpu.memref_slice %arg4[%add3A_59, %dma_wait3A_158, %dma_wait3A_159] : memref<50x4096x128xf32, #tpu.memory_space<hbm>> -> memref<1x4096x128xf32, #tpu.memory_space<hbm>>
      %dma_wait3A_161 = tpu.memref_squeeze %dma_wait3A_160 : memref<1x4096x128xf32, #tpu.memory_space<hbm>> -> memref<4096x128xf32, #tpu.memory_space<hbm>>
      %dma_wait3A_162 = arith.constant 0 : i32
      %dma_wait3A_163 = tpu.memref_slice %dma_wait3A_161[%mul3A_2, %dma_wait3A_162] : memref<4096x128xf32, #tpu.memory_space<hbm>> -> memref<128x128xf32, #tpu.memory_space<hbm>>
      tpu.wait_dma2 semaphore(%arg16 : memref<!tpu.dma_semaphore, #tpu.memory_space<semaphore_mem>>) src(%arg6 : memref<128x128xf32, #tpu.memory_space<vmem>>) dst(%dma_wait3A_163 : memref<128x128xf32, #tpu.memory_space<hbm>>)
      %dma_wait3A_164 = arith.constant 0 : i32
      %dma_wait3A_165 = arith.constant 0 : i32
      %dma_wait3A_166 = tpu.memref_slice %arg4[%add3A_79, %dma_wait3A_164, %dma_wait3A_165] : memref<50x4096x128xf32, #tpu.memory_space<hbm>> -> memref<1x4096x128xf32, #tpu.memory_space<hbm>>
      %dma_wait3A_167 = tpu.memref_squeeze %dma_wait3A_166 : memref<1x4096x128xf32, #tpu.memory_space<hbm>> -> memref<4096x128xf32, #tpu.memory_space<hbm>>
      %dma_wait3A_168 = arith.constant 0 : i32
      %dma_wait3A_169 = tpu.memref_slice %dma_wait3A_167[%mul3A_2, %dma_wait3A_168] : memref<4096x128xf32, #tpu.memory_space<hbm>> -> memref<128x128xf32, #tpu.memory_space<hbm>>
      %dma_wait3A_170 = arith.constant 0 : i32
      %dma_wait3A_171 = arith.constant 0 : i32
      %dma_wait3A_172 = tpu.memref_slice %arg4[%add3A_79, %dma_wait3A_170, %dma_wait3A_171] : memref<50x4096x128xf32, #tpu.memory_space<hbm>> -> memref<1x4096x128xf32, #tpu.memory_space<hbm>>
      %dma_wait3A_173 = tpu.memref_squeeze %dma_wait3A_172 : memref<1x4096x128xf32, #tpu.memory_space<hbm>> -> memref<4096x128xf32, #tpu.memory_space<hbm>>
      %dma_wait3A_174 = arith.constant 0 : i32
      %dma_wait3A_175 = tpu.memref_slice %dma_wait3A_173[%mul3A_2, %dma_wait3A_174] : memref<4096x128xf32, #tpu.memory_space<hbm>> -> memref<128x128xf32, #tpu.memory_space<hbm>>
      tpu.wait_dma2 semaphore(%arg17 : memref<!tpu.dma_semaphore, #tpu.memory_space<semaphore_mem>>) src(%arg7 : memref<128x128xf32, #tpu.memory_space<vmem>>) dst(%dma_wait3A_175 : memref<128x128xf32, #tpu.memory_space<hbm>>)
      %dma_wait3A_176 = arith.constant 0 : i32
      %dma_wait3A_177 = arith.constant 0 : i32
      %dma_wait3A_178 = tpu.memref_slice %arg4[%add3A_99, %dma_wait3A_176, %dma_wait3A_177] : memref<50x4096x128xf32, #tpu.memory_space<hbm>> -> memref<1x4096x128xf32, #tpu.memory_space<hbm>>
      %dma_wait3A_179 = tpu.memref_squeeze %dma_wait3A_178 : memref<1x4096x128xf32, #tpu.memory_space<hbm>> -> memref<4096x128xf32, #tpu.memory_space<hbm>>
      %dma_wait3A_180 = arith.constant 0 : i32
      %dma_wait3A_181 = tpu.memref_slice %dma_wait3A_179[%mul3A_2, %dma_wait3A_180] : memref<4096x128xf32, #tpu.memory_space<hbm>> -> memref<128x128xf32, #tpu.memory_space<hbm>>
      %dma_wait3A_182 = arith.constant 0 : i32
      %dma_wait3A_183 = arith.constant 0 : i32
      %dma_wait3A_184 = tpu.memref_slice %arg4[%add3A_99, %dma_wait3A_182, %dma_wait3A_183] : memref<50x4096x128xf32, #tpu.memory_space<hbm>> -> memref<1x4096x128xf32, #tpu.memory_space<hbm>>
      %dma_wait3A_185 = tpu.memref_squeeze %dma_wait3A_184 : memref<1x4096x128xf32, #tpu.memory_space<hbm>> -> memref<4096x128xf32, #tpu.memory_space<hbm>>
      %dma_wait3A_186 = arith.constant 0 : i32
      %dma_wait3A_187 = tpu.memref_slice %dma_wait3A_185[%mul3A_2, %dma_wait3A_186] : memref<4096x128xf32, #tpu.memory_space<hbm>> -> memref<128x128xf32, #tpu.memory_space<hbm>>
      tpu.wait_dma2 semaphore(%arg18 : memref<!tpu.dma_semaphore, #tpu.memory_space<semaphore_mem>>) src(%arg8 : memref<128x128xf32, #tpu.memory_space<vmem>>) dst(%dma_wait3A_187 : memref<128x128xf32, #tpu.memory_space<hbm>>)
      %dma_wait3A_188 = arith.constant 0 : i32
      %dma_wait3A_189 = arith.constant 0 : i32
      %dma_wait3A_190 = tpu.memref_slice %arg4[%add3A_119, %dma_wait3A_188, %dma_wait3A_189] : memref<50x4096x128xf32, #tpu.memory_space<hbm>> -> memref<1x4096x128xf32, #tpu.memory_space<hbm>>
      %dma_wait3A_191 = tpu.memref_squeeze %dma_wait3A_190 : memref<1x4096x128xf32, #tpu.memory_space<hbm>> -> memref<4096x128xf32, #tpu.memory_space<hbm>>
      %dma_wait3A_192 = arith.constant 0 : i32
      %dma_wait3A_193 = tpu.memref_slice %dma_wait3A_191[%mul3A_2, %dma_wait3A_192] : memref<4096x128xf32, #tpu.memory_space<hbm>> -> memref<128x128xf32, #tpu.memory_space<hbm>>
      %dma_wait3A_194 = arith.constant 0 : i32
      %dma_wait3A_195 = arith.constant 0 : i32
      %dma_wait3A_196 = tpu.memref_slice %arg4[%add3A_119, %dma_wait3A_194, %dma_wait3A_195] : memref<50x4096x128xf32, #tpu.memory_space<hbm>> -> memref<1x4096x128xf32, #tpu.memory_space<hbm>>
      %dma_wait3A_197 = tpu.memref_squeeze %dma_wait3A_196 : memref<1x4096x128xf32, #tpu.memory_space<hbm>> -> memref<4096x128xf32, #tpu.memory_space<hbm>>
      %dma_wait3A_198 = arith.constant 0 : i32
      %dma_wait3A_199 = tpu.memref_slice %dma_wait3A_197[%mul3A_2, %dma_wait3A_198] : memref<4096x128xf32, #tpu.memory_space<hbm>> -> memref<128x128xf32, #tpu.memory_space<hbm>>
      tpu.wait_dma2 semaphore(%arg19 : memref<!tpu.dma_semaphore, #tpu.memory_space<semaphore_mem>>) src(%arg9 : memref<128x128xf32, #tpu.memory_space<vmem>>) dst(%dma_wait3A_199 : memref<128x128xf32, #tpu.memory_space<hbm>>)
      %dma_wait3A_200 = arith.constant 0 : i32
      %dma_wait3A_201 = arith.constant 0 : i32
      %dma_wait3A_202 = tpu.memref_slice %arg4[%add3A_139, %dma_wait3A_200, %dma_wait3A_201] : memref<50x4096x128xf32, #tpu.memory_space<hbm>> -> memref<1x4096x128xf32, #tpu.memory_space<hbm>>
      %dma_wait3A_203 = tpu.memref_squeeze %dma_wait3A_202 : memref<1x4096x128xf32, #tpu.memory_space<hbm>> -> memref<4096x128xf32, #tpu.memory_space<hbm>>
      %dma_wait3A_204 = arith.constant 0 : i32
      %dma_wait3A_205 = tpu.memref_slice %dma_wait3A_203[%mul3A_2, %dma_wait3A_204] : memref<4096x128xf32, #tpu.memory_space<hbm>> -> memref<128x128xf32, #tpu.memory_space<hbm>>
      %dma_wait3A_206 = arith.constant 0 : i32
      %dma_wait3A_207 = arith.constant 0 : i32
      %dma_wait3A_208 = tpu.memref_slice %arg4[%add3A_139, %dma_wait3A_206, %dma_wait3A_207] : memref<50x4096x128xf32, #tpu.memory_space<hbm>> -> memref<1x4096x128xf32, #tpu.memory_space<hbm>>
      %dma_wait3A_209 = tpu.memref_squeeze %dma_wait3A_208 : memref<1x4096x128xf32, #tpu.memory_space<hbm>> -> memref<4096x128xf32, #tpu.memory_space<hbm>>
      %dma_wait3A_210 = arith.constant 0 : i32
      %dma_wait3A_211 = tpu.memref_slice %dma_wait3A_209[%mul3A_2, %dma_wait3A_210] : memref<4096x128xf32, #tpu.memory_space<hbm>> -> memref<128x128xf32, #tpu.memory_space<hbm>>
      tpu.wait_dma2 semaphore(%arg20 : memref<!tpu.dma_semaphore, #tpu.memory_space<semaphore_mem>>) src(%arg10 : memref<128x128xf32, #tpu.memory_space<vmem>>) dst(%dma_wait3A_211 : memref<128x128xf32, #tpu.memory_space<hbm>>)
    }
    %scan3A_6 = arith.constant 10 : i32
    return
  }
}

module attributes {stable_mosaic.version = 14 : i64} {
  func.func @_fuse_body(%arg0: i32, %arg1: memref<1xf32, #tpu.memory_space<smem>>, %arg2: memref<8192xi32, #tpu.memory_space<vmem>>, %arg3: memref<8192x128xf32, #tpu.memory_space<vmem>>, %arg4: memref<8192x128xf32, #tpu.memory_space<vmem>>, %arg5: memref<128x128xf32, #tpu.memory_space<vmem>>, %arg6: memref<8192x128xf32, #tpu.memory_space<vmem>>) attributes {dimension_semantics = [#tpu.dimension_semantics<arbitrary>], iteration_bounds = array<i64: 13>, scalar_prefetch = 0 : i64, scratch_operands = 0 : i64, tpu.core_type = #tpu.core_type<tc>, window_params = [{transform_indices = @transform_0, window_bounds = array<i64: 1>}, {transform_indices = @transform_1, window_bounds = array<i64: 8192>}, {transform_indices = @transform_2, window_bounds = array<i64: 8192, 128>}, {transform_indices = @transform_3, window_bounds = array<i64: 8192, 128>}, {pipeline_mode = #tpu.pipeline_mode<synchronous>, transform_indices = @transform_4, window_bounds = array<i64: 128, 128>}, {transform_indices = @transform_5, window_bounds = array<i64: 8192, 128>}]} {
    %get3A = arith.constant 0 : index
    %get3A_0 = arith.constant 0 : index
    %get3A_1 = vector.load %arg4[%get3A, %get3A_0] : memref<8192x128xf32, #tpu.memory_space<vmem>>, vector<8192x128xf32>
    %get3A_2 = arith.constant 0 : index
    %get3A_3 = arith.constant 0 : index
    %get3A_4 = vector.load %arg5[%get3A_2, %get3A_3] : memref<128x128xf32, #tpu.memory_space<vmem>>, vector<128x128xf32>
    %dot_general3A = arith.constant dense<0.000000e+00> : vector<8192x128xf32>
    %dot_general3A_5 = tpu.matmul %get3A_1, %get3A_4, %dot_general3A {dimension_numbers = #tpu.dot_dimension_numbers<[1], [1], [0], [0], [0, 0, 1, 0], [], []>, transpose_lhs_hint = false} : vector<8192x128xf32>, vector<128x128xf32>, vector<8192x128xf32> -> vector<8192x128xf32>
    %get3A_6 = arith.constant 0 : index
    %get3A_7 = vector.load %arg2[%get3A_6] : memref<8192xi32, #tpu.memory_space<vmem>>, vector<8192xi32>
    %convert_element_type3A = arith.sitofp %get3A_7 : vector<8192xi32> to vector<8192xf32>
    %get3A_8 = arith.constant 0 : index
    %get3A_9 = memref.load %arg1[%get3A_8] : memref<1xf32, #tpu.memory_space<smem>>
    %broadcast_in_dim3A = vector.shape_cast %convert_element_type3A : vector<8192xf32> to vector<8192x1xf32>
    %broadcast_in_dim3A_10 = vector.broadcast %broadcast_in_dim3A : vector<8192x1xf32> to vector<8192x128xf32>
    %mul3A = vector.broadcast %get3A_9 : f32 to vector<8192x128xf32>
    %mul3A_11 = arith.mulf %mul3A, %broadcast_in_dim3A_10 : vector<8192x128xf32>
    %get3A_12 = arith.constant 0 : index
    %get3A_13 = arith.constant 0 : index
    %get3A_14 = vector.load %arg3[%get3A_12, %get3A_13] : memref<8192x128xf32, #tpu.memory_space<vmem>>, vector<8192x128xf32>
    %mul3A_15 = arith.mulf %mul3A_11, %dot_general3A_5 : vector<8192x128xf32>
    %add3A = arith.addf %get3A_14, %mul3A_15 : vector<8192x128xf32>
    %swap3A = arith.constant 0 : index
    %swap3A_16 = arith.constant 0 : index
    %swap3A_17 = vector.load %arg6[%swap3A, %swap3A_16] : memref<8192x128xf32, #tpu.memory_space<vmem>>, vector<8192x128xf32>
    tpu.vector_store %arg6[%swap3A, %swap3A_16], %add3A {strides = array<i32>} : memref<8192x128xf32, #tpu.memory_space<vmem>>, vector<8192x128xf32>,
    return
  }
  func.func @transform_0(%arg0: i32) -> i32 {
    %c0_i32 = arith.constant 0 : i32
    %c0_i32_0 = arith.constant 0 : i32
    return %c0_i32 : i32
  }
  func.func @transform_1(%arg0: i32) -> i32 {
    %c0_i32 = arith.constant 0 : i32
    return %arg0 : i32
  }
  func.func @transform_2(%arg0: i32) -> (i32, i32) {
    %c0_i32 = arith.constant 0 : i32
    %c0_i32_0 = arith.constant 0 : i32
    return %arg0, %c0_i32 : i32, i32
  }
  func.func @transform_3(%arg0: i32) -> (i32, i32) {
    %c0_i32 = arith.constant 0 : i32
    %c0_i32_0 = arith.constant 0 : i32
    return %arg0, %c0_i32 : i32, i32
  }
  func.func @transform_4(%arg0: i32) -> (i32, i32) {
    %c0_i32 = arith.constant 0 : i32
    %c0_i32_0 = arith.constant 0 : i32
    %c0_i32_1 = arith.constant 0 : i32
    return %c0_i32, %c0_i32_0 : i32, i32
  }
  func.func @transform_5(%arg0: i32) -> (i32, i32) {
    %c0_i32 = arith.constant 0 : i32
    %c0_i32_0 = arith.constant 0 : i32
    return %arg0, %c0_i32 : i32, i32
  }
}

</mosaic_0001>

<sc_bundles>
// kernel: kernel.4.cloned.1.call-start
scs
__scs_entry_jumppad:
0x0: {  	(pc) =	sbr.rel $0x88, $3  }
0x1: {  	(tag) =	ssettag $0x0;
	lr =	simm.s32 $0x1  }
0x2: {  	[smem:$0x3F9B] =	sst lr;
	_ =	strace $0xD0000000  }
0x3: {  	_ = 	snop  }
0x4: {  	_ = 	snop  }
0x5: {  	_ = 	snop  }
0x6: {  	_ = 	snop  }
0x7: {  	_ = 	snop  }
__scs_overlays_trampoline_lowered:
0x8: {  	[smem:$0x3FAA] =	sst s0  }
0x9: {  	[smem:$0x3FAB] =	sst s1  }
0xa: {  	[smem:$0x3FAC] =	sst s2  }
0xb: {  	[smem:$0x3FAD] =	sst s3  }
0xc: {  	[smem:$0x3FAE] =	sst s4  }
0xd: {  	[smem:$0x3FAF] =	sst s5  }
0xe: {  	[smem:$0x3FB0] =	sst s6  }
0xf: {  	[smem:$0x3FB1] =	sst s7  }
0x10: {  	[smem:$0x3FB2] =	sst s8  }
0x11: {  	[smem:$0x3FB3] =	sst s9;
	s0 =	simm.s32 @!p0 $0x0  }
0x12: {  	s1 =	sld [smem:$0x3F99];
	s0 =	simm.s32 @p0 $0x1  }
0x13: {  	[smem:$0x3FB4] =	sst s0;
	s0 =	simm.s32 @!p1 $0x0  }
0x14: {  	s2 =	sld [smem:$0x3F98];
	s0 =	simm.s32 @p1 $0x1  }
0x15: {  	[smem:$0x3FB5] =	sst s0;
	s0 =	simm.s32 @!p2 $0x0  }
0x16: {  	s3 =	sld [smem:$0x3FDB];
	s0 =	simm.s32 @p2 $0x1  }
0x17: {  	s4 =	simm.s32 $0x1BF5;
	[smem:$0x3FB7] =	sst s0  }
0x18: {  	s0 =	sld [smem:$0x3F9A];
	_ =	swait.ge [sflag:s4], $0x0  }
0x19: {  	s7 =	sld [smem:$0x3F9B]  }
0x1a: {  	s8 =	sadd.s32 $0xFFFFE003, lr  }
0x1b: {  	s9 =	sadd.s32 $0xFFFFFEF7, lr;
	s5 =	simm.s32 $0xFFFFFFFF;
	p2 =	slt.u32 s8, $0xFFFFF086  }
0x1c: {  	p1 =	slt.u32 s9, $0xF7A;
	s5 =	simm.s32 @!p2 $0x0  }
0x1d: {  	s5 =	simm.s32 @p1 $0x1;
	p0 =	seq.s32 s7, s2  }
0x1e: {  	s7 =	smul.u32 @!p0 $0xF7A, s2;
	p2 =	seq.s32 @!p0 s5, $0x0  }
0x1f: {  	s9 =	smul.u32 $0xF7A, s1;
	s8 =	simm.s32 @!p0 $0x1BF5;
	p2 =	por !p2, p0  }
0x20: {  	[sflag:s8] =	ssyncset.s32 @!p0 $0xFFFFF086;
	s6 =	sadd.s32 @!p0 s3, s7;
	s7 =	simm.s32 @!p0 $0x108  }
0x21: {  	s3 =	sadd.s32 s3, s9;
	s6 =	sadd.s32 @!p0 $0x88, s6;
	s7 =	simm.s32 @p2 $0x1082  }
0x22: {  	[simem:s7], [sflag:s8] =	dma.local @!p0 [hbm:s6], $0xF7A  }
0x23: {  	s9 =	sor.u32 $0xD0000000, s2;
	s6 =	simm.s32 $0x108;
	_ =	swait.ge @!p0 [sflag:s8], $0x0  }
0x24: {  	s3 =	sadd.s32 $0x88, s3;
	s6 =	simm.s32 @!p1 $0x1082;
	[sflag:s4] =	ssyncset.s32 $0xFFFFF086  }
0x25: {  	[simem:s6], [sflag:s4] =	dma.local [hbm:s3], $0xF7A  }
0x26: {  	[smem:$0x3F9B] =	sst s1;
	(tag) =	ssettag s2;
	_ =	strace s9  }
0x27: {  	s1 =	sld [smem:$0x3FAB]  }
0x28: {  	s2 =	sld [smem:$0x3FAC]  }
0x29: {  	s4 =	sld [smem:$0x3FAE]  }
0x2a: {  	p0 =	seq.s32 s5, $0x0;
	s5 =	sld [smem:$0x3FAF]  }
0x2b: {  	s6 =	sld [smem:$0x3FB0]  }
0x2c: {  	s7 =	sld [smem:$0x3FB1]  }
0x2d: {  	s3 =	simm.s32 $0x108;
	s8 =	sld [smem:$0x3FB2]  }
0x2e: {  	s3 =	simm.s32 @!p0 $0x1082;
	s9 =	sld [smem:$0x3FB3]  }
0x2f: {  	lr =	sadd.s32 s0, s3;
	s0 =	sld [smem:$0x3FAA]  }
0x30: {  	s3 =	sld [smem:$0x3FAD]  }
0x31: {  	[smem:$0x3FB6] =	sst s10  }
0x32: {  	s10 =	sld [smem:$0x3FB4];
	_ =	sdelay $0x3  }
0x33: {  	p0 =	seq.s32 s10, $0x1;
	s10 =	sld [smem:$0x3FB6];
	_ =	sdelay $0x3  }
0x34: {  	[smem:$0x3FB6] =	sst s10  }
0x35: {  	s10 =	sld [smem:$0x3FB5];
	_ =	sdelay $0x3  }
0x36: {  	p1 =	seq.s32 s10, $0x1;
	s10 =	sld [smem:$0x3FB6];
	_ =	sdelay $0x3  }
0x37: {  	[smem:$0x3FB6] =	sst s10  }
0x38: {  	s10 =	sld [smem:$0x3FB7]  }
0x39: {  	_ = 	snop;
	(pc) =	sbr.ind lr, $3  }
0x3a: {  	_ = 	snop  }
0x3b: {  	_ = 	snop  }
0x3c: {  	p2 =	seq.s32 s10, $0x1;
	s10 =	sld [smem:$0x3FB6]  }
0x3d: {  	_ =	shalt  }
0x3e: {  	_ =	shalt  }
0x3f: {  	_ =	shalt  }
0x40: {  	_ =	shalt  }
0x41: {  	_ =	shalt  }
0x42: {  	_ =	shalt  }
0x43: {  	_ =	shalt  }
0x44: {  	_ =	shalt  }
0x45: {  	_ =	shalt  }
0x46: {  	_ =	shalt  }
0x47: {  	_ =	shalt  }
0x48: {  	_ =	shalt  }
0x49: {  	_ =	shalt  }
0x4a: {  	_ =	shalt  }
0x4b: {  	_ =	shalt  }
0x4c: {  	_ =	shalt  }
0x4d: {  	_ =	shalt  }
0x4e: {  	_ =	shalt  }
0x4f: {  	_ =	shalt  }
0x50: {  	_ =	shalt  }
0x51: {  	_ =	shalt  }
0x52: {  	_ =	shalt  }
0x53: {  	_ =	shalt  }
0x54: {  	_ =	shalt  }
0x55: {  	_ =	shalt  }
0x56: {  	_ =	shalt  }
0x57: {  	_ =	shalt  }
0x58: {  	_ =	shalt  }
0x59: {  	_ =	shalt  }
0x5a: {  	_ =	shalt  }
0x5b: {  	_ =	shalt  }
0x5c: {  	_ =	shalt  }
0x5d: {  	_ =	shalt  }
0x5e: {  	_ =	shalt  }
0x5f: {  	_ =	shalt  }
0x60: {  	_ =	shalt  }
0x61: {  	_ =	shalt  }
0x62: {  	_ =	shalt  }
0x63: {  	_ =	shalt  }
0x64: {  	_ =	shalt  }
0x65: {  	_ =	shalt  }
0x66: {  	_ =	shalt  }
0x67: {  	_ =	shalt  }
0x68: {  	_ =	shalt  }
0x69: {  	_ =	shalt  }
0x6a: {  	_ =	shalt  }
0x6b: {  	_ =	shalt  }
0x6c: {  	_ =	shalt  }
0x6d: {  	_ =	shalt  }
0x6e: {  	_ =	shalt  }
0x6f: {  	_ =	shalt  }
0x70: {  	_ =	shalt  }
0x71: {  	_ =	shalt  }
0x72: {  	_ =	shalt  }
0x73: {  	_ =	shalt  }
0x74: {  	_ =	shalt  }
0x75: {  	_ =	shalt  }
0x76: {  	_ =	shalt  }
0x77: {  	_ =	shalt  }
0x78: {  	_ =	shalt  }
0x79: {  	_ =	shalt  }
0x7a: {  	_ =	shalt  }
0x7b: {  	_ =	shalt  }
0x7c: {  	_ =	shalt  }
0x7d: {  	_ =	shalt  }
0x7e: {  	_ =	shalt  }
0x7f: {  	_ =	shalt  }
0x80: {  	_ =	shalt  }
0x81: {  	_ =	shalt  }
0x82: {  	_ =	shalt  }
0x83: {  	_ =	shalt  }
0x84: {  	_ =	shalt  }
0x85: {  	_ =	shalt  }
0x86: {  	_ =	shalt  }
0x87: {  	_ =	shalt  }
.Lfunc_end0:
.L_simem_size_0:
called_computation_lowered:
.L_overlay_start_0:
0x88: {  	s2 =	sld [smem:$0x3FD9]  }
0x89: {  	s3 =	sld [smem:$0x3FFE];
	_ =	sdelay $0x1  }
0x8a: {  	s1 =	srdreg.scid  }
0x8b: {  	s0 =	sand.u32 $0x1, s1  }
0x8c: {  	s17 =	sshll.u32 s0, $0xA;
	s2 =	sadd.s32 s3, s2  }
0x8d: {  	s2 =	sadd.s32 s2, s17  }
0x8e: {  	[smem:$0x3FC2] =	sst s2  }
0x8f: {  	_ = 	snop  }
0x90: {  	s2 =	sld [smem:$0x3FC9]  }
0x91: {  	s18 =	sld [smem:$0x3FD0];
	(tm) =	ssettm $0x1  }
0x92: {  	s4 =	sld [smem:$0x3FFB];
	_ =	sdelay $0x3  }
0x93: {  	_ =	strace s4  }
0x94: {  	s4 =	sld [smem:$0x3FFC];
	_ =	sdelay $0x3  }
0x95: {  	_ =	strace s4  }
0x96: {  	s4 =	sld [smem:$0x3FFD];
	_ =	sdelay $0x3  }
0x97: {  	_ =	strace s4  }
0x98: {  	_ =	strace $0x8FFFFFFF  }
0x99: {  	s19 =	sld [smem:$0x3FDB];
	_ =	sdelay $0x1  }
0x9a: {  	s5 =	simm.s32 $_scs_section_size  }
0x9b: {  	s6 =	simm.s32 $_size__tile_overlayer_lowered;
	s7 =	simm.s32 $_tile_overlayer_lowered  }
0x9c: {  	s22 =	simm.s32 $0x1BFF;
	s21 =	sshll.u32 s7, $0x1;
	s4 =	sadd.s32 s5, s19  }
0x9d: {  	s8 =	simm.s32 $0x0;
	s20 =	sshll.u32 s6, $0x1;
	s6 =	sadd.s32 s21, s4  }
0x9e: {  	[timem:s8], [sflag:s22] =	dma.local [hbm:s6], s20  }
0x9f: {  	_ =	swait.ge [sflag:s22], s20  }
0xa0: {  	s5 =	ssub.s32 $0x0, s20;
	[sflag:s22] =	ssyncset.done $0x0  }
0xa1: {  	[sflag:s22] =	ssyncadd.s32 s5;
	_ =	sdelay $0x1  }
0xa2: {  	s23 =	simm.s32 $0x1B8B  }
0xa3: {  	_ =	swait.ge [sflag:s23], $0x1  }
0xa4: {  	[sflag:s23] =	ssyncset.done $0x0  }
0xa5: {  	s25 =	simm.s32 $0x1B8E;
	s24 =	sld [smem:$0x3FFE];
	[sflag:s23] =	ssyncadd.s32 $0xFFFFFFFF  }
0xa6: {  	s26 =	simm.s32 $execute0_lowered;
	[smem:$0x3FD2] =	sst s25  }
0xa7: {  	s6 =	sshll.u32 s26, $0x1;
	_ =	strace $0x80000046;
	[dreg:$0x1] =	wrdreg $0xFFFFFFFF  }
0xa8: {  	s28 =	simm.s32 $_size_execute0_lowered;
	s4 =	sadd.s32 s4, s6;
	[dreg:$0x0] =	wrdreg $0x0  }
0xa9: {  	s6 =	sshll.u32 s28, $0x1;
	[dreg:$0x2] =	wrdreg s4  }
0xaa: {  	[dreg:$0x3] =	wrdreg s6  }
0xab: {  	[dreg:$0x4] =	wrdreg $0xC0  }
0xac: {  	_ =	task [dreg:s8], $0x5FFFF  }
0xad: {  	[dreg:$0x1] =	wrdreg $0xFFFFFFFF  }
0xae: {  	[dreg:$0x0] =	wrdreg $0x60  }
0xaf: {  	[dreg:$0x2] =	wrdreg s24  }
0xb0: {  	[dreg:$0x3] =	wrdreg s2  }
0xb1: {  	[dreg:$0x4] =	wrdreg s18  }
0xb2: {  	[dreg:$0x5] =	wrdreg $0x9  }
0xb3: {  	_ =	task.clear_ibuf [dreg:s8], $0x6FFFF;
	_ =	strace $0x90000046  }
0xb4: {  	s29 =	simm.s32 $0x9;
	_ =	strace $0x80000048  }
0xb5: {  	_ =	swait.ge [sflag:s29], $0x1  }
0xb6: {  	[sflag:s29] =	ssyncadd.s32 $0xFFFFFFFF  }
0xb7: {  	_ =	strace $0x90000048  }
0xb8: {  	_ =	sfence  }
0xb9: {  	s30 =	sld [smem:$0x0];
	_ =	sdelay $0x2  }
0xba: {  	s31 =	sshll.u32 s1, $0xD;
	s1 =	sshrl.u32 s1, $0x2  }
0xbb: {  	s3 =	sand.u32 $0x4000, s31;
	s1 =	sadd.s32 s1, s30  }
0xbc: {  	s0 =	sor.u32 s3, s0;
	s1 =	sshll.u32 s1, $0x11  }
0xbd: {  	s0 =	sor.u32 s1, s0  }
0xbe: {  	s0 =	sadd.s32 $0x8F2B, s0  }
0xbf: {  	[sflag:s0] =	ssyncadd.remote.s32 $0x1  }
0xc0: {  	_ =	sfence.sel $0xFFFF  }
0xc1: {  	[dreg:$0x0] =	wrdreg $0xFFFFFFFF;
	(pc) =	sbr.abs _section_cstart, $3  }
0xc2: {  	[dreg:$0x1] =	wrdreg $0xFFFFFFFF  }
0xc3: {  	_ =	task.clear_ibuf [dreg:s8], $0x2FFFF;
	_ =	strace $0x9FFFFFFF  }
0xc4: {  	(tm) =	ssettm $0x7FFFFFFF  }
0xc5: {  	_ =	shalt  }
tec
execute0_lowered:
.L_overlay_start_1:
0x0: {  	(tag) =	ssettag $0x1  }
0x1: {  	s0 =	rddreg [dreg:$0x0]  }
0x2: {  	s1 =	rddreg [dreg:$0x1]  }
0x3: {  	s7 =	rddreg [dreg:$0x2]  }
0x4: {  	s3 =	srdreg.scid;
	s2 =	simm.s32 $0x0;
	s4 =	stileid.u32  }
0x5: {  	s9 =	simm.s32 $0x8000;
	s10 =	simm.s32 $0x1800;
	s11 =	simm.s32 $0xB  }
0x6: {  	s12 =	simm.s32 $0x80;
	s13 =	simm.s32 $0x1C00;
	s14 =	simm.s32 $0x5C00  }
0x7: {  	s15 =	simm.s32 $0x9C00;
	s16 =	simm.s32 $0xDC00;
	s17 =	simm.s32 $0x11C00  }
0x8: {  	s18 =	simm.s32 $0x1;
	s19 =	simm.s32 $0x2;
	s20 =	simm.s32 $0x3  }
0x9: {  	s21 =	simm.s32 $0x4;
	s22 =	simm.s32 $0x5;
	s23 =	simm.s32 $0x6  }
0xa: {  	s24 =	simm.s32 $0x7;
	s25 =	simm.s32 $0x8;
	s26 =	simm.s32 $0x9  }
0xb: {  	s28 =	simm.s32 $0xA;
	s29 =	simm.s32 $0x0;
	s3 =	sand.u32 $0x1, s3  }
0xc: {  	[smem:$0x7FF] =	sst s2;
	s4 =	sshll.u32 s4, $0x8;
	s7 =	sadd.s32 $0x40000, s7  }
0xd: {  	s5 =	sshll.u32 s3, $0x7;
	_ =	strace $0x80000047;
	s6 =	ssub.s32 $0x2, s3  }
0xe: {  	s3 =	sadd.s32 $0x600, s0;
	s8 =	sor.u32 s5, s4;
	s30 =	sshrl.u32 s6, $0x1  }
0xf: {  	s4 =	sadd.s32 s1, s8;
	s0 =	ssub.s32 s6, s30;
	s31 =	sshll.u32 s8, $0x4  }
0x10: {  	s5 =	sadd.s32 $0x6000, s4;
	[dreg:$0x4] =	wrdreg s31;
	s6 =	smax.u32 s0, $0x1  }
.LBB2_1:
0x11: {  	s0 =	simm.s32 $0x400  }
0x12: {  	[tilespmem:s2], [sflag:$0xB] =	stream.strided.gather [hbm4b:s4+s0], $0x1800, s9, s0, $0x38;
	[tilespmem:$0x15C00] =	vst v63  }
0x13: {  	_ = 	snop  }
0x14: {  	[tilespmem:s10], [sflag:$0xB] =	stream.linear.gather [hbm4b:s5+s2], $0x100, $0x38;
	[tilespmem:$0x15C00] =	vst v63  }
0x15: {  	_ =	swait.ge [sflag:s11], $0x1900  }
0x16: {  	[sflag:s11] =	ssyncset.done $0x0  }
0x17: {  	s8 =	simm.s32 $0x0;
	[sflag:s11] =	ssyncadd.s32 $0xFFFFE700  }
0x18: {  	[tilespmem:s13], [sflag:$0x1] =	stream.indirect.gather [hbm4b:s3+s12], $0x80, s8, s12, $0xb8;
	[tilespmem:$0x15C00] =	vst v63  }
0x19: {  	s1 =	simm.s32 $0x80  }
0x1a: {  	[tilespmem:s14], [sflag:$0x2] =	stream.indirect.gather [hbm4b:s3+s12], $0x80, s1, s12, $0xb8;
	[tilespmem:$0x15C00] =	vst v63  }
0x1b: {  	s8 =	simm.s32 $0x100  }
0x1c: {  	[tilespmem:s15], [sflag:$0x3] =	stream.indirect.gather [hbm4b:s3+s12], $0x80, s8, s12, $0xb8;
	[tilespmem:$0x15C00] =	vst v63  }
0x1d: {  	s1 =	simm.s32 $0x180  }
0x1e: {  	[tilespmem:s16], [sflag:$0x4] =	stream.indirect.gather [hbm4b:s3+s12], $0x80, s1, s12, $0xb8;
	[tilespmem:$0x15C00] =	vst v63  }
0x1f: {  	s8 =	simm.s32 $0x200  }
0x20: {  	[tilespmem:s17], [sflag:$0x5] =	stream.indirect.gather [hbm4b:s3+s12], $0x80, s8, s12, $0xb8;
	[tilespmem:$0x15C00] =	vst v63  }
0x21: {  	_ =	swait.ge [sflag:s18], $0x4000  }
0x22: {  	s1 =	rddreg [dreg:$0x4]  }
0x23: {  	[sflag:s18] =	ssyncset.done $0x0;
	s0 =	sadd.s32 s1, s7  }
0x24: {  	[sflag:s18] =	ssyncadd.s32 $0xFFFFC000;
	s1 =	sadd.s32 $0xFFFC0000, s0  }
0x25: {  	[hbm4b:s1+s2] =	stream.linear.scatter [tilespmem:s13], [sflag:$0x6], $0x4000, $0x38;
	[tilespmem:$0x15C00] =	vst v63  }
0x26: {  	_ =	swait.ge [sflag:s19], $0x4000  }
0x27: {  	[sflag:s19] =	ssyncset.done $0x0  }
0x28: {  	s8 =	sadd.s32 $0xFFFD0000, s0;
	[sflag:s19] =	ssyncadd.s32 $0xFFFFC000  }
0x29: {  	[hbm4b:s8+s2] =	stream.linear.scatter [tilespmem:s14], [sflag:$0x7], $0x4000, $0x38;
	[tilespmem:$0x15C00] =	vst v63  }
0x2a: {  	_ =	swait.ge [sflag:s20], $0x4000  }
0x2b: {  	[sflag:s20] =	ssyncset.done $0x0  }
0x2c: {  	s8 =	sadd.s32 $0xFFFE0000, s0;
	[sflag:s20] =	ssyncadd.s32 $0xFFFFC000  }
0x2d: {  	[hbm4b:s8+s2] =	stream.linear.scatter [tilespmem:s15], [sflag:$0x8], $0x4000, $0x38;
	[tilespmem:$0x15C00] =	vst v63  }
0x2e: {  	_ =	swait.ge [sflag:s21], $0x4000  }
0x2f: {  	[sflag:s21] =	ssyncset.done $0x0  }
0x30: {  	s8 =	sadd.s32 $0xFFFF0000, s0;
	[sflag:s21] =	ssyncadd.s32 $0xFFFFC000  }
0x31: {  	[hbm4b:s8+s2] =	stream.linear.scatter [tilespmem:s16], [sflag:$0x9], $0x4000, $0x38;
	[tilespmem:$0x15C00] =	vst v63  }
0x32: {  	_ =	swait.ge [sflag:s22], $0x4000  }
0x33: {  	[sflag:s22] =	ssyncset.done $0x0  }
0x34: {  	[sflag:s22] =	ssyncadd.s32 $0xFFFFC000  }
0x35: {  	[hbm4b:s0+s2] =	stream.linear.scatter [tilespmem:s17], [sflag:$0xA], $0x4000, $0x38;
	[tilespmem:$0x15C00] =	vst v63  }
0x36: {  	_ =	swait.ge [sflag:s23], $0x4000  }
0x37: {  	[sflag:s23] =	ssyncset.done $0x0  }
0x38: {  	[sflag:s23] =	ssyncadd.s32 $0xFFFFC000  }
0x39: {  	_ =	swait.ge [sflag:s24], $0x4000  }
0x3a: {  	[sflag:s24] =	ssyncset.done $0x0  }
0x3b: {  	[sflag:s24] =	ssyncadd.s32 $0xFFFFC000  }
0x3c: {  	_ =	swait.ge [sflag:s25], $0x4000  }
0x3d: {  	[sflag:s25] =	ssyncset.done $0x0  }
0x3e: {  	[sflag:s25] =	ssyncadd.s32 $0xFFFFC000  }
0x3f: {  	_ =	swait.ge [sflag:s26], $0x4000  }
0x40: {  	[sflag:s26] =	ssyncset.done $0x0  }
0x41: {  	[sflag:s26] =	ssyncadd.s32 $0xFFFFC000  }
0x42: {  	s31 =	simm.s32 $0xA00;
	_ =	swait.ge [sflag:s28], $0x4000  }
0x43: {  	s30 =	sadd.s32 $0x50000, s7;
	s0 =	simm.s32 $0x1400;
	[sflag:s28] =	ssyncset.done $0x0  }
.LBB2_2:
0x44: {  	s8 =	sshra.s32 s31, $0x2;
	[sflag:s28] =	ssyncadd.s32 $0xFFFFC000;
	s31 =	smov.u32 s0  }
0x45: {  	[tilespmem:s13], [sflag:$0x1] =	stream.indirect.gather [hbm4b:s3+s12], $0x80, s8, s12, $0xb8;
	[tilespmem:$0x15C00] =	vst v63  }
0x46: {  	s1 =	sadd.s32 $0xA00, s0;
	p0 =	sne.s32 s0, $0x5A00;
	s0 =	sadd.s32 $0x80, s8  }
0x47: {  	[tilespmem:s14], [sflag:$0x2] =	stream.indirect.gather [hbm4b:s3+s12], $0x80, s0, s12, $0xb8;
	[tilespmem:$0x15C00] =	vst v63  }
0x48: {  	s0 =	sadd.s32 $0x100, s8  }
0x49: {  	[tilespmem:s15], [sflag:$0x3] =	stream.indirect.gather [hbm4b:s3+s12], $0x80, s0, s12, $0xb8;
	[tilespmem:$0x15C00] =	vst v63  }
0x4a: {  	s0 =	sadd.s32 $0x180, s8  }
0x4b: {  	[tilespmem:s16], [sflag:$0x4] =	stream.indirect.gather [hbm4b:s3+s12], $0x80, s0, s12, $0xb8;
	[tilespmem:$0x15C00] =	vst v63  }
0x4c: {  	s8 =	sadd.s32 $0x200, s8  }
0x4d: {  	[tilespmem:s17], [sflag:$0x5] =	stream.indirect.gather [hbm4b:s3+s12], $0x80, s8, s12, $0xb8;
	[tilespmem:$0x15C00] =	vst v63  }
0x4e: {  	_ =	swait.ge [sflag:s18], $0x4000  }
0x4f: {  	s8 =	rddreg [dreg:$0x4]  }
0x50: {  	[sflag:s18] =	ssyncset.done $0x0;
	s0 =	sadd.s32 s8, s30  }
0x51: {  	[sflag:s18] =	ssyncadd.s32 $0xFFFFC000;
	s8 =	sadd.s32 $0xFFFC0000, s0  }
0x52: {  	[hbm4b:s8+s2] =	stream.linear.scatter [tilespmem:s13], [sflag:$0x6], $0x4000, $0x38;
	[tilespmem:$0x15C00] =	vst v63  }
0x53: {  	_ =	swait.ge [sflag:s19], $0x4000  }
0x54: {  	[sflag:s19] =	ssyncset.done $0x0  }
0x55: {  	s8 =	sadd.s32 $0xFFFD0000, s0;
	[sflag:s19] =	ssyncadd.s32 $0xFFFFC000  }
0x56: {  	[hbm4b:s8+s2] =	stream.linear.scatter [tilespmem:s14], [sflag:$0x7], $0x4000, $0x38;
	[tilespmem:$0x15C00] =	vst v63  }
0x57: {  	_ =	swait.ge [sflag:s20], $0x4000  }
0x58: {  	[sflag:s20] =	ssyncset.done $0x0  }
0x59: {  	s8 =	sadd.s32 $0xFFFE0000, s0;
	[sflag:s20] =	ssyncadd.s32 $0xFFFFC000  }
0x5a: {  	[hbm4b:s8+s2] =	stream.linear.scatter [tilespmem:s15], [sflag:$0x8], $0x4000, $0x38;
	[tilespmem:$0x15C00] =	vst v63  }
0x5b: {  	_ =	swait.ge [sflag:s21], $0x4000  }
0x5c: {  	[sflag:s21] =	ssyncset.done $0x0  }
0x5d: {  	s8 =	sadd.s32 $0xFFFF0000, s0;
	[sflag:s21] =	ssyncadd.s32 $0xFFFFC000  }
0x5e: {  	[hbm4b:s8+s2] =	stream.linear.scatter [tilespmem:s16], [sflag:$0x9], $0x4000, $0x38;
	[tilespmem:$0x15C00] =	vst v63  }
0x5f: {  	_ =	swait.ge [sflag:s22], $0x4000  }
0x60: {  	[sflag:s22] =	ssyncset.done $0x0  }
0x61: {  	[sflag:s22] =	ssyncadd.s32 $0xFFFFC000  }
0x62: {  	[hbm4b:s0+s2] =	stream.linear.scatter [tilespmem:s17], [sflag:$0xA], $0x4000, $0x38;
	[tilespmem:$0x15C00] =	vst v63  }
0x63: {  	_ =	swait.ge [sflag:s23], $0x4000  }
0x64: {  	[sflag:s23] =	ssyncset.done $0x0  }
0x65: {  	[sflag:s23] =	ssyncadd.s32 $0xFFFFC000  }
0x66: {  	_ =	swait.ge [sflag:s24], $0x4000  }
0x67: {  	[sflag:s24] =	ssyncset.done $0x0  }
0x68: {  	[sflag:s24] =	ssyncadd.s32 $0xFFFFC000  }
0x69: {  	_ =	swait.ge [sflag:s25], $0x4000  }
0x6a: {  	[sflag:s25] =	ssyncset.done $0x0  }
0x6b: {  	[sflag:s25] =	ssyncadd.s32 $0xFFFFC000  }
.Ltmp0:
0x6c: {  	_ =	swait.ge [sflag:s26], $0x4000;
	(pc) =	sbr.rel @p0 .LBB2_2-.Ltmp0, $4  }
0x6d: {  	[sflag:s26] =	ssyncset.done $0x0  }
0x6e: {  	[sflag:s26] =	ssyncadd.s32 $0xFFFFC000  }
0x6f: {  	_ =	swait.ge [sflag:s28], $0x4000  }
0x70: {  	s30 =	sadd.s32 $0x50000, s30;
	s0 =	smov.u32 s1;
	[sflag:s28] =	ssyncset.done $0x0  }
0x71: {  	s0 =	sshra.s32 s31, $0x2;
	[sflag:s28] =	ssyncadd.s32 $0xFFFFC000  }
0x72: {  	[tilespmem:s13], [sflag:$0x1] =	stream.indirect.gather [hbm4b:s3+s12], $0x80, s0, s12, $0xb8;
	[tilespmem:$0x15C00] =	vst v63  }
0x73: {  	s1 =	sadd.s32 $0x80, s0  }
0x74: {  	[tilespmem:s14], [sflag:$0x2] =	stream.indirect.gather [hbm4b:s3+s12], $0x80, s1, s12, $0xb8;
	[tilespmem:$0x15C00] =	vst v63  }
0x75: {  	s8 =	sadd.s32 $0x100, s0  }
0x76: {  	[tilespmem:s15], [sflag:$0x3] =	stream.indirect.gather [hbm4b:s3+s12], $0x80, s8, s12, $0xb8;
	[tilespmem:$0x15C00] =	vst v63  }
0x77: {  	s31 =	sadd.s32 $0x180, s0  }
0x78: {  	[tilespmem:s16], [sflag:$0x4] =	stream.indirect.gather [hbm4b:s3+s12], $0x80, s31, s12, $0xb8;
	[tilespmem:$0x15C00] =	vst v63  }
0x79: {  	s0 =	sadd.s32 $0x200, s0  }
0x7a: {  	[tilespmem:s17], [sflag:$0x5] =	stream.indirect.gather [hbm4b:s3+s12], $0x80, s0, s12, $0xb8;
	[tilespmem:$0x15C00] =	vst v63  }
0x7b: {  	_ =	swait.ge [sflag:s18], $0x4000  }
0x7c: {  	s8 =	rddreg [dreg:$0x4]  }
0x7d: {  	[sflag:s18] =	ssyncset.done $0x0;
	s0 =	sadd.s32 s8, s30  }
0x7e: {  	[sflag:s18] =	ssyncadd.s32 $0xFFFFC000;
	s31 =	sadd.s32 $0xFFFC0000, s0  }
0x7f: {  	[hbm4b:s31+s2] =	stream.linear.scatter [tilespmem:s13], [sflag:$0x6], $0x4000, $0x38;
	[tilespmem:$0x15C00] =	vst v63  }
0x80: {  	_ =	swait.ge [sflag:s19], $0x4000  }
0x81: {  	[sflag:s19] =	ssyncset.done $0x0  }
0x82: {  	s8 =	sadd.s32 $0xFFFD0000, s0;
	[sflag:s19] =	ssyncadd.s32 $0xFFFFC000  }
0x83: {  	[hbm4b:s8+s2] =	stream.linear.scatter [tilespmem:s14], [sflag:$0x7], $0x4000, $0x38;
	[tilespmem:$0x15C00] =	vst v63  }
0x84: {  	_ =	swait.ge [sflag:s20], $0x4000  }
0x85: {  	[sflag:s20] =	ssyncset.done $0x0  }
0x86: {  	s30 =	sadd.s32 $0xFFFE0000, s0;
	[sflag:s20] =	ssyncadd.s32 $0xFFFFC000  }
0x87: {  	[hbm4b:s30+s2] =	stream.linear.scatter [tilespmem:s15], [sflag:$0x8], $0x4000, $0x38;
	[tilespmem:$0x15C00] =	vst v63  }
0x88: {  	_ =	swait.ge [sflag:s21], $0x4000  }
0x89: {  	[sflag:s21] =	ssyncset.done $0x0  }
0x8a: {  	s31 =	sadd.s32 $0xFFFF0000, s0;
	[sflag:s21] =	ssyncadd.s32 $0xFFFFC000  }
0x8b: {  	[hbm4b:s31+s2] =	stream.linear.scatter [tilespmem:s16], [sflag:$0x9], $0x4000, $0x38;
	[tilespmem:$0x15C00] =	vst v63  }
0x8c: {  	_ =	swait.ge [sflag:s22], $0x4000  }
0x8d: {  	[sflag:s22] =	ssyncset.done $0x0  }
0x8e: {  	[sflag:s22] =	ssyncadd.s32 $0xFFFFC000  }
0x8f: {  	[hbm4b:s0+s2] =	stream.linear.scatter [tilespmem:s17], [sflag:$0xA], $0x4000, $0x38;
	[tilespmem:$0x15C00] =	vst v63  }
0x90: {  	_ =	swait.ge [sflag:s23], $0x4000  }
0x91: {  	[sflag:s23] =	ssyncset.done $0x0  }
0x92: {  	[sflag:s23] =	ssyncadd.s32 $0xFFFFC000  }
0x93: {  	_ =	swait.ge [sflag:s24], $0x4000  }
0x94: {  	[sflag:s24] =	ssyncset.done $0x0  }
0x95: {  	[sflag:s24] =	ssyncadd.s32 $0xFFFFC000  }
0x96: {  	_ =	swait.ge [sflag:s25], $0x4000  }
0x97: {  	[sflag:s25] =	ssyncset.done $0x0  }
0x98: {  	s29 =	sadd.s32 $0x1, s29;
	[sflag:s25] =	ssyncadd.s32 $0xFFFFC000  }
0x99: {  	p0 =	sne.s32 s29, s6;
	_ =	swait.ge [sflag:s26], $0x4000  }
.Ltmp1:
0x9a: {  	[sflag:s26] =	ssyncset.done $0x0;
	(pc) =	sbr.rel @p0 .LBB2_1-.Ltmp1, $4  }
0x9b: {  	[sflag:s26] =	ssyncadd.s32 $0xFFFFC000  }
0x9c: {  	_ =	swait.ge [sflag:s28], $0x4000  }
0x9d: {  	[sflag:s28] =	ssyncset.done $0x0  }
0x9e: {  	[sflag:s28] =	ssyncadd.s32 $0xFFFFC000  }
0x9f: {  	_ =	sfence.sel $0x180000  }
0xa0: {  	[bflag:$0x0] =	sbarrier.arrive $0xFFFF  }
0xa1: {  	_ =	strace $0x90000047  }
0xa2: {  	s0 =	stileid.u32;
	[bflag:$0x2] =	sbarrier.arrive $0xFFFF  }
0xa3: {  	p0 =	sne.s32 s0, $0x0;
	s0 =	rddreg [dreg:$0x3]  }
0xa4: {  	s0 =	sadd.s32 @!p0 $0x100000, s0  }
0xa5: {  	[sflag:s0] =	ssyncadd.tile.s32 @!p0 $0x1;
	_ =	shalt  }
.Lfunc_end2:
_tile_overlayer_lowered:
.L_overlay_start_2:
0xa6: {  	(tag) =	ssettag $0x2  }
0xa7: {  	s0 =	rddreg [dreg:$0x0];
	s2 =	stileid.u32  }
0xa8: {  	s1 =	rddreg [dreg:$0x1];
	p0 =	sne.s32 s2, $0x0  }
0xa9: {  	s3 =	rddreg [dreg:$0x2];
	[bflag:$0x3] =	sbarrier.arrive $0xFFFF;
	s2 =	simm.s32 @!p0 $0x1C0B  }
0xaa: {  	[timem:s3], [sflag:s2] =	dma.local @!p0 [hbm:s0], s1  }
0xab: {  	s0 =	simm.s32 @!p0 $0xB  }
0xac: {  	_ =	swait.ge @!p0 [sflag:s0], s1  }
0xad: {  	s1 =	ssub.s32 @!p0 $0x0, s1;
	[sflag:s0] =	ssyncset.done @!p0 $0x0  }
0xae: {  	[sflag:s0] =	ssyncadd.s32 @!p0 s1  }
0xaf: {  	[bflag:$0x3] =	sbarrier.arrive $0xFFFF  }
0xb0: {  	_ =	shalt  }

</sc_bundles>
